<compile_context>
chip_gen: v7x
topology: tpu7x:2x2x1
jax: 0.10.2.dev20260603
libtpu: 0.0.44.dev20260713+nightly
codegen_flags: <defaults>
</compile_context>

<pallas_src>
import functools

import jax
import jax.numpy as jnp
from jax import lax
from jax.experimental import pallas as pl
from jax.experimental.pallas import tpu as pltpu
from jax.experimental.pallas import tpu_sc as plsc

_ROWS = 16384
_D = 128
_KEEP = 64

_info = plsc.get_sparse_core_info()
_NC = _info.num_cores
_NS = _info.num_subcores
_NW = _NC * _NS
_ROWS_PER_W = _ROWS // _NW

_NCHUNK = 4
_CHUNK = _ROWS_PER_W // _NCHUNK
_LANES = 16
_KVECS = _KEEP // _LANES

_mesh = plsc.VectorSubcoreMesh(core_axis_name="c", subcore_axis_name="s")


@functools.partial(
    pl.kernel,
    mesh=_mesh,
    out_type=jax.ShapeDtypeStruct((_ROWS, _KEEP), jnp.float32),
    scratch_types=[
        [pltpu.VMEM((_CHUNK, _D), jnp.float32)] * _NCHUNK,
        [pltpu.VMEM((_CHUNK, _KEEP), jnp.float32)] * _NCHUNK,
        [pltpu.SemaphoreType.DMA] * _NCHUNK,
        [pltpu.SemaphoreType.DMA] * _NCHUNK,
    ],
    compiler_params=pltpu.CompilerParams(
        disable_bounds_checks=True,
        disable_semaphore_checks=True,
        needs_layout_passes=False,
    ),
)
def _mask_copy(x_hbm, out_hbm, in_bufs, out_bufs, in_sems, out_sems):
    wid = lax.axis_index("s") * _NC + lax.axis_index("c")
    base = wid * _ROWS_PER_W
    ins = []
    for k in range(_NCHUNK):
        ins.append(
            pltpu.async_copy(
                x_hbm.at[pl.ds(base + k * _CHUNK, _CHUNK)],
                in_bufs[k],
                in_sems[k],
            )
        )
    outs = []
    for k in range(_NCHUNK):
        ins[k].wait()
        ib = in_bufs[k]
        ob = out_bufs[k]

        def body(r, _, ib=ib, ob=ob):
            for c in range(_KVECS):
                sl = pl.ds(c * _LANES, _LANES)
                ob[r, sl] = ib[r, sl]
            return 0

        lax.fori_loop(0, 1, body, 0)
        outs.append(
            pltpu.async_copy(
                ob,
                out_hbm.at[pl.ds(base + k * _CHUNK, _CHUNK)],
                out_sems[k],
            )
        )
    for k in range(_NCHUNK):
        outs[k].wait()


def kernel(inputs):
    return _mask_copy(inputs)

# --- scband reference (transcript-rebuilt; emitter-appended) ---
"""Pipeline reference for scband-bool-mask-87514253624131 (READ-ONLY COPY).

The authoritative reference and input builder live on the scoring server;
editing this copy changes nothing except your own understanding.
"""

import jax, jax.numpy as jnp
import numpy as np

D = 128
KEEP = 64

def _mask():
    m = np.zeros(D, dtype=bool)
    m[:KEEP] = True
    return m

def setup_inputs(seed: int = 0) -> dict:
    key = jax.random.key(seed)
    x = jax.random.normal(key, (16384, D), dtype=jnp.float32)
    return {"inputs": x}

def reference(inputs):
    # Equivalent of tf.boolean_mask(inputs, mask, axis=1) followed by reshape
    mask = _mask()
    idx = jnp.asarray(np.nonzero(mask)[0], dtype=jnp.int32)
    batchsize = inputs.shape[0]
    out = jnp.take(inputs, idx, axis=1)
    return jnp.reshape(out, (batchsize, int(mask.sum())))

if __name__ == "__main__":
    import jax
    _d = setup_inputs()
    print(jax.jit(kernel)(*tuple(_d.values())))

</pallas_src>

<mosaic_0001>
#map = affine_map<(d0, d1) -> (0, 0)>
module attributes {stable_mosaic.version = 14 : i64} {
  func.func @_mask_copy(%arg0: i32, %arg1: i32, %arg2: memref<16384x128xf32, #tpu.memory_space<hbm>>, %arg3: memref<16384x64xf32, #tpu.memory_space<hbm>>, %arg4: memref<128x128xf32, #tpu.memory_space<vmem>>, %arg5: memref<128x128xf32, #tpu.memory_space<vmem>>, %arg6: memref<128x128xf32, #tpu.memory_space<vmem>>, %arg7: memref<128x128xf32, #tpu.memory_space<vmem>>, %arg8: memref<128x64xf32, #tpu.memory_space<vmem>>, %arg9: memref<128x64xf32, #tpu.memory_space<vmem>>, %arg10: memref<128x64xf32, #tpu.memory_space<vmem>>, %arg11: memref<128x64xf32, #tpu.memory_space<vmem>>, %arg12: memref<!tpu.dma_semaphore, #tpu.memory_space<semaphore_mem>>, %arg13: memref<!tpu.dma_semaphore, #tpu.memory_space<semaphore_mem>>, %arg14: memref<!tpu.dma_semaphore, #tpu.memory_space<semaphore_mem>>, %arg15: memref<!tpu.dma_semaphore, #tpu.memory_space<semaphore_mem>>, %arg16: memref<!tpu.dma_semaphore, #tpu.memory_space<semaphore_mem>>, %arg17: memref<!tpu.dma_semaphore, #tpu.memory_space<semaphore_mem>>, %arg18: memref<!tpu.dma_semaphore, #tpu.memory_space<semaphore_mem>>, %arg19: memref<!tpu.dma_semaphore, #tpu.memory_space<semaphore_mem>>) attributes {dimension_semantics = [#tpu.dimension_semantics<core_parallel>, #tpu.dimension_semantics<subcore_parallel>], iteration_bounds = array<i64: 2, 16>, scalar_prefetch = 0 : i64, scratch_operands = 16 : i64, tpu.core_type = #tpu.core_type<sc_vector_subcore>, window_params = [{transform_indices = #map}, {transform_indices = #map}]} {
    %mul3A = arith.constant 2 : i32
    %mul3A_0 = arith.muli %arg1, %mul3A : i32
    %add3A = arith.addi %mul3A_0, %arg0 : i32
    %mul3A_1 = arith.constant 512 : i32
    %mul3A_2 = arith.muli %add3A, %mul3A_1 : i32
    %add3A_3 = arith.constant 0 : i32
    %add3A_4 = arith.addi %mul3A_2, %add3A_3 : i32
    %dma_start3A = arith.constant 0 : i32
    %dma_start3A_5 = tpu.memref_slice %arg2[%add3A_4, %dma_start3A] : memref<16384x128xf32, #tpu.memory_space<hbm>> -> memref<128x128xf32, #tpu.memory_space<hbm>>
    %dma_start3A_6 = arith.constant 0 : i32
    %dma_start3A_7 = tpu.memref_slice %arg2[%add3A_4, %dma_start3A_6] : memref<16384x128xf32, #tpu.memory_space<hbm>> -> memref<128x128xf32, #tpu.memory_space<hbm>>
    tpu.enqueue_dma source(%dma_start3A_7 : memref<128x128xf32, #tpu.memory_space<hbm>>) target(%arg4 : memref<128x128xf32, #tpu.memory_space<vmem>>) target_semaphore(%arg12 : memref<!tpu.dma_semaphore, #tpu.memory_space<semaphore_mem>>)
    %add3A_8 = arith.constant 128 : i32
    %add3A_9 = arith.addi %mul3A_2, %add3A_8 : i32
    %dma_start3A_10 = arith.constant 0 : i32
    %dma_start3A_11 = tpu.memref_slice %arg2[%add3A_9, %dma_start3A_10] : memref<16384x128xf32, #tpu.memory_space<hbm>> -> memref<128x128xf32, #tpu.memory_space<hbm>>
    %dma_start3A_12 = arith.constant 0 : i32
    %dma_start3A_13 = tpu.memref_slice %arg2[%add3A_9, %dma_start3A_12] : memref<16384x128xf32, #tpu.memory_space<hbm>> -> memref<128x128xf32, #tpu.memory_space<hbm>>
    tpu.enqueue_dma source(%dma_start3A_13 : memref<128x128xf32, #tpu.memory_space<hbm>>) target(%arg5 : memref<128x128xf32, #tpu.memory_space<vmem>>) target_semaphore(%arg13 : memref<!tpu.dma_semaphore, #tpu.memory_space<semaphore_mem>>)
    %add3A_14 = arith.constant 256 : i32
    %add3A_15 = arith.addi %mul3A_2, %add3A_14 : i32
    %dma_start3A_16 = arith.constant 0 : i32
    %dma_start3A_17 = tpu.memref_slice %arg2[%add3A_15, %dma_start3A_16] : memref<16384x128xf32, #tpu.memory_space<hbm>> -> memref<128x128xf32, #tpu.memory_space<hbm>>
    %dma_start3A_18 = arith.constant 0 : i32
    %dma_start3A_19 = tpu.memref_slice %arg2[%add3A_15, %dma_start3A_18] : memref<16384x128xf32, #tpu.memory_space<hbm>> -> memref<128x128xf32, #tpu.memory_space<hbm>>
    tpu.enqueue_dma source(%dma_start3A_19 : memref<128x128xf32, #tpu.memory_space<hbm>>) target(%arg6 : memref<128x128xf32, #tpu.memory_space<vmem>>) target_semaphore(%arg14 : memref<!tpu.dma_semaphore, #tpu.memory_space<semaphore_mem>>)
    %add3A_20 = arith.constant 384 : i32
    %add3A_21 = arith.addi %mul3A_2, %add3A_20 : i32
    %dma_start3A_22 = arith.constant 0 : i32
    %dma_start3A_23 = tpu.memref_slice %arg2[%add3A_21, %dma_start3A_22] : memref<16384x128xf32, #tpu.memory_space<hbm>> -> memref<128x128xf32, #tpu.memory_space<hbm>>
    %dma_start3A_24 = arith.constant 0 : i32
    %dma_start3A_25 = tpu.memref_slice %arg2[%add3A_21, %dma_start3A_24] : memref<16384x128xf32, #tpu.memory_space<hbm>> -> memref<128x128xf32, #tpu.memory_space<hbm>>
    tpu.enqueue_dma source(%dma_start3A_25 : memref<128x128xf32, #tpu.memory_space<hbm>>) target(%arg7 : memref<128x128xf32, #tpu.memory_space<vmem>>) target_semaphore(%arg15 : memref<!tpu.dma_semaphore, #tpu.memory_space<semaphore_mem>>)
    %dma_wait3A = arith.constant 0 : i32
    %dma_wait3A_26 = tpu.memref_slice %arg2[%add3A_4, %dma_wait3A] : memref<16384x128xf32, #tpu.memory_space<hbm>> -> memref<128x128xf32, #tpu.memory_space<hbm>>
    %dma_wait3A_27 = arith.constant 0 : i32
    %dma_wait3A_28 = tpu.memref_slice %arg2[%add3A_4, %dma_wait3A_27] : memref<16384x128xf32, #tpu.memory_space<hbm>> -> memref<128x128xf32, #tpu.memory_space<hbm>>
    tpu.wait_dma2 semaphore(%arg12 : memref<!tpu.dma_semaphore, #tpu.memory_space<semaphore_mem>>) src(%dma_wait3A_28 : memref<128x128xf32, #tpu.memory_space<hbm>>) dst(%arg4 : memref<128x128xf32, #tpu.memory_space<vmem>>)
    %scan3A = arith.constant 0 : i32
    %scan3A_29 = arith.constant 0 : i32
    %get3A = arith.index_cast %scan3A_29 : i32 to index
    %get3A_30 = arith.constant 0 : index
    %get3A_31 = tpu.vector_load %arg4[%get3A, %get3A_30] {strides = array<i32>} : memref<128x128xf32, #tpu.memory_space<vmem>>, vector<16xf32>,
    %swap3A = arith.index_cast %scan3A_29 : i32 to index
    %swap3A_32 = arith.constant 0 : index
    %swap3A_33 = tpu.vector_load %arg8[%swap3A, %swap3A_32] {strides = array<i32>} : memref<128x64xf32, #tpu.memory_space<vmem>>, vector<16xf32>,
    tpu.vector_store %arg8[%swap3A, %swap3A_32], %get3A_31 {strides = array<i32>} : memref<128x64xf32, #tpu.memory_space<vmem>>, vector<16xf32>,
    %get3A_34 = arith.index_cast %scan3A_29 : i32 to index
    %get3A_35 = arith.constant 16 : index
    %get3A_36 = tpu.vector_load %arg4[%get3A_34, %get3A_35] {strides = array<i32>} : memref<128x128xf32, #tpu.memory_space<vmem>>, vector<16xf32>,
    %swap3A_37 = arith.index_cast %scan3A_29 : i32 to index
    %swap3A_38 = arith.constant 16 : index
    %swap3A_39 = tpu.vector_load %arg8[%swap3A_37, %swap3A_38] {strides = array<i32>} : memref<128x64xf32, #tpu.memory_space<vmem>>, vector<16xf32>,
    tpu.vector_store %arg8[%swap3A_37, %swap3A_38], %get3A_36 {strides = array<i32>} : memref<128x64xf32, #tpu.memory_space<vmem>>, vector<16xf32>,
    %get3A_40 = arith.index_cast %scan3A_29 : i32 to index
    %get3A_41 = arith.constant 32 : index
    %get3A_42 = tpu.vector_load %arg4[%get3A_40, %get3A_41] {strides = array<i32>} : memref<128x128xf32, #tpu.memory_space<vmem>>, vector<16xf32>,
    %swap3A_43 = arith.index_cast %scan3A_29 : i32 to index
    %swap3A_44 = arith.constant 32 : index
    %swap3A_45 = tpu.vector_load %arg8[%swap3A_43, %swap3A_44] {strides = array<i32>} : memref<128x64xf32, #tpu.memory_space<vmem>>, vector<16xf32>,
    tpu.vector_store %arg8[%swap3A_43, %swap3A_44], %get3A_42 {strides = array<i32>} : memref<128x64xf32, #tpu.memory_space<vmem>>, vector<16xf32>,
    %get3A_46 = arith.index_cast %scan3A_29 : i32 to index
    %get3A_47 = arith.constant 48 : index
    %get3A_48 = tpu.vector_load %arg4[%get3A_46, %get3A_47] {strides = array<i32>} : memref<128x128xf32, #tpu.memory_space<vmem>>, vector<16xf32>,
    %swap3A_49 = arith.index_cast %scan3A_29 : i32 to index
    %swap3A_50 = arith.constant 48 : index
    %swap3A_51 = tpu.vector_load %arg8[%swap3A_49, %swap3A_50] {strides = array<i32>} : memref<128x64xf32, #tpu.memory_space<vmem>>, vector<16xf32>,
    tpu.vector_store %arg8[%swap3A_49, %swap3A_50], %get3A_48 {strides = array<i32>} : memref<128x64xf32, #tpu.memory_space<vmem>>, vector<16xf32>,
    %scan3A_52 = arith.constant 0 : i32
    %scan3A_53 = arith.constant 1 : i32
    %add3A_54 = arith.constant 0 : i32
    %add3A_55 = arith.addi %mul3A_2, %add3A_54 : i32
    %dma_start3A_56 = arith.constant 0 : i32
    %dma_start3A_57 = tpu.memref_slice %arg3[%add3A_55, %dma_start3A_56] : memref<16384x64xf32, #tpu.memory_space<hbm>> -> memref<128x64xf32, #tpu.memory_space<hbm>>
    %dma_start3A_58 = arith.constant 0 : i32
    %dma_start3A_59 = tpu.memref_slice %arg3[%add3A_55, %dma_start3A_58] : memref<16384x64xf32, #tpu.memory_space<hbm>> -> memref<128x64xf32, #tpu.memory_space<hbm>>
    tpu.enqueue_dma source(%arg8 : memref<128x64xf32, #tpu.memory_space<vmem>>) target(%dma_start3A_59 : memref<128x64xf32, #tpu.memory_space<hbm>>) target_semaphore(%arg16 : memref<!tpu.dma_semaphore, #tpu.memory_space<semaphore_mem>>)
    %dma_wait3A_60 = arith.constant 0 : i32
    %dma_wait3A_61 = tpu.memref_slice %arg2[%add3A_9, %dma_wait3A_60] : memref<16384x128xf32, #tpu.memory_space<hbm>> -> memref<128x128xf32, #tpu.memory_space<hbm>>
    %dma_wait3A_62 = arith.constant 0 : i32
    %dma_wait3A_63 = tpu.memref_slice %arg2[%add3A_9, %dma_wait3A_62] : memref<16384x128xf32, #tpu.memory_space<hbm>> -> memref<128x128xf32, #tpu.memory_space<hbm>>
    tpu.wait_dma2 semaphore(%arg13 : memref<!tpu.dma_semaphore, #tpu.memory_space<semaphore_mem>>) src(%dma_wait3A_63 : memref<128x128xf32, #tpu.memory_space<hbm>>) dst(%arg5 : memref<128x128xf32, #tpu.memory_space<vmem>>)
    %scan3A_64 = arith.constant 0 : i32
    %scan3A_65 = arith.constant 0 : i32
    %get3A_66 = arith.index_cast %scan3A_65 : i32 to index
    %get3A_67 = arith.constant 0 : index
    %get3A_68 = tpu.vector_load %arg5[%get3A_66, %get3A_67] {strides = array<i32>} : memref<128x128xf32, #tpu.memory_space<vmem>>, vector<16xf32>,
    %swap3A_69 = arith.index_cast %scan3A_65 : i32 to index
    %swap3A_70 = arith.constant 0 : index
    %swap3A_71 = tpu.vector_load %arg9[%swap3A_69, %swap3A_70] {strides = array<i32>} : memref<128x64xf32, #tpu.memory_space<vmem>>, vector<16xf32>,
    tpu.vector_store %arg9[%swap3A_69, %swap3A_70], %get3A_68 {strides = array<i32>} : memref<128x64xf32, #tpu.memory_space<vmem>>, vector<16xf32>,
    %get3A_72 = arith.index_cast %scan3A_65 : i32 to index
    %get3A_73 = arith.constant 16 : index
    %get3A_74 = tpu.vector_load %arg5[%get3A_72, %get3A_73] {strides = array<i32>} : memref<128x128xf32, #tpu.memory_space<vmem>>, vector<16xf32>,
    %swap3A_75 = arith.index_cast %scan3A_65 : i32 to index
    %swap3A_76 = arith.constant 16 : index
    %swap3A_77 = tpu.vector_load %arg9[%swap3A_75, %swap3A_76] {strides = array<i32>} : memref<128x64xf32, #tpu.memory_space<vmem>>, vector<16xf32>,
    tpu.vector_store %arg9[%swap3A_75, %swap3A_76], %get3A_74 {strides = array<i32>} : memref<128x64xf32, #tpu.memory_space<vmem>>, vector<16xf32>,
    %get3A_78 = arith.index_cast %scan3A_65 : i32 to index
    %get3A_79 = arith.constant 32 : index
    %get3A_80 = tpu.vector_load %arg5[%get3A_78, %get3A_79] {strides = array<i32>} : memref<128x128xf32, #tpu.memory_space<vmem>>, vector<16xf32>,
    %swap3A_81 = arith.index_cast %scan3A_65 : i32 to index
    %swap3A_82 = arith.constant 32 : index
    %swap3A_83 = tpu.vector_load %arg9[%swap3A_81, %swap3A_82] {strides = array<i32>} : memref<128x64xf32, #tpu.memory_space<vmem>>, vector<16xf32>,
    tpu.vector_store %arg9[%swap3A_81, %swap3A_82], %get3A_80 {strides = array<i32>} : memref<128x64xf32, #tpu.memory_space<vmem>>, vector<16xf32>,
    %get3A_84 = arith.index_cast %scan3A_65 : i32 to index
    %get3A_85 = arith.constant 48 : index
    %get3A_86 = tpu.vector_load %arg5[%get3A_84, %get3A_85] {strides = array<i32>} : memref<128x128xf32, #tpu.memory_space<vmem>>, vector<16xf32>,
    %swap3A_87 = arith.index_cast %scan3A_65 : i32 to index
    %swap3A_88 = arith.constant 48 : index
    %swap3A_89 = tpu.vector_load %arg9[%swap3A_87, %swap3A_88] {strides = array<i32>} : memref<128x64xf32, #tpu.memory_space<vmem>>, vector<16xf32>,
    tpu.vector_store %arg9[%swap3A_87, %swap3A_88], %get3A_86 {strides = array<i32>} : memref<128x64xf32, #tpu.memory_space<vmem>>, vector<16xf32>,
    %scan3A_90 = arith.constant 0 : i32
    %scan3A_91 = arith.constant 1 : i32
    %add3A_92 = arith.constant 128 : i32
    %add3A_93 = arith.addi %mul3A_2, %add3A_92 : i32
    %dma_start3A_94 = arith.constant 0 : i32
    %dma_start3A_95 = tpu.memref_slice %arg3[%add3A_93, %dma_start3A_94] : memref<16384x64xf32, #tpu.memory_space<hbm>> -> memref<128x64xf32, #tpu.memory_space<hbm>>
    %dma_start3A_96 = arith.constant 0 : i32
    %dma_start3A_97 = tpu.memref_slice %arg3[%add3A_93, %dma_start3A_96] : memref<16384x64xf32, #tpu.memory_space<hbm>> -> memref<128x64xf32, #tpu.memory_space<hbm>>
    tpu.enqueue_dma source(%arg9 : memref<128x64xf32, #tpu.memory_space<vmem>>) target(%dma_start3A_97 : memref<128x64xf32, #tpu.memory_space<hbm>>) target_semaphore(%arg17 : memref<!tpu.dma_semaphore, #tpu.memory_space<semaphore_mem>>)
    %dma_wait3A_98 = arith.constant 0 : i32
    %dma_wait3A_99 = tpu.memref_slice %arg2[%add3A_15, %dma_wait3A_98] : memref<16384x128xf32, #tpu.memory_space<hbm>> -> memref<128x128xf32, #tpu.memory_space<hbm>>
    %dma_wait3A_100 = arith.constant 0 : i32
    %dma_wait3A_101 = tpu.memref_slice %arg2[%add3A_15, %dma_wait3A_100] : memref<16384x128xf32, #tpu.memory_space<hbm>> -> memref<128x128xf32, #tpu.memory_space<hbm>>
    tpu.wait_dma2 semaphore(%arg14 : memref<!tpu.dma_semaphore, #tpu.memory_space<semaphore_mem>>) src(%dma_wait3A_101 : memref<128x128xf32, #tpu.memory_space<hbm>>) dst(%arg6 : memref<128x128xf32, #tpu.memory_space<vmem>>)
    %scan3A_102 = arith.constant 0 : i32
    %scan3A_103 = arith.constant 0 : i32
    %get3A_104 = arith.index_cast %scan3A_103 : i32 to index
    %get3A_105 = arith.constant 0 : index
    %get3A_106 = tpu.vector_load %arg6[%get3A_104, %get3A_105] {strides = array<i32>} : memref<128x128xf32, #tpu.memory_space<vmem>>, vector<16xf32>,
    %swap3A_107 = arith.index_cast %scan3A_103 : i32 to index
    %swap3A_108 = arith.constant 0 : index
    %swap3A_109 = tpu.vector_load %arg10[%swap3A_107, %swap3A_108] {strides = array<i32>} : memref<128x64xf32, #tpu.memory_space<vmem>>, vector<16xf32>,
    tpu.vector_store %arg10[%swap3A_107, %swap3A_108], %get3A_106 {strides = array<i32>} : memref<128x64xf32, #tpu.memory_space<vmem>>, vector<16xf32>,
    %get3A_110 = arith.index_cast %scan3A_103 : i32 to index
    %get3A_111 = arith.constant 16 : index
    %get3A_112 = tpu.vector_load %arg6[%get3A_110, %get3A_111] {strides = array<i32>} : memref<128x128xf32, #tpu.memory_space<vmem>>, vector<16xf32>,
    %swap3A_113 = arith.index_cast %scan3A_103 : i32 to index
    %swap3A_114 = arith.constant 16 : index
    %swap3A_115 = tpu.vector_load %arg10[%swap3A_113, %swap3A_114] {strides = array<i32>} : memref<128x64xf32, #tpu.memory_space<vmem>>, vector<16xf32>,
    tpu.vector_store %arg10[%swap3A_113, %swap3A_114], %get3A_112 {strides = array<i32>} : memref<128x64xf32, #tpu.memory_space<vmem>>, vector<16xf32>,
    %get3A_116 = arith.index_cast %scan3A_103 : i32 to index
    %get3A_117 = arith.constant 32 : index
    %get3A_118 = tpu.vector_load %arg6[%get3A_116, %get3A_117] {strides = array<i32>} : memref<128x128xf32, #tpu.memory_space<vmem>>, vector<16xf32>,
    %swap3A_119 = arith.index_cast %scan3A_103 : i32 to index
    %swap3A_120 = arith.constant 32 : index
    %swap3A_121 = tpu.vector_load %arg10[%swap3A_119, %swap3A_120] {strides = array<i32>} : memref<128x64xf32, #tpu.memory_space<vmem>>, vector<16xf32>,
    tpu.vector_store %arg10[%swap3A_119, %swap3A_120], %get3A_118 {strides = array<i32>} : memref<128x64xf32, #tpu.memory_space<vmem>>, vector<16xf32>,
    %get3A_122 = arith.index_cast %scan3A_103 : i32 to index
    %get3A_123 = arith.constant 48 : index
    %get3A_124 = tpu.vector_load %arg6[%get3A_122, %get3A_123] {strides = array<i32>} : memref<128x128xf32, #tpu.memory_space<vmem>>, vector<16xf32>,
    %swap3A_125 = arith.index_cast %scan3A_103 : i32 to index
    %swap3A_126 = arith.constant 48 : index
    %swap3A_127 = tpu.vector_load %arg10[%swap3A_125, %swap3A_126] {strides = array<i32>} : memref<128x64xf32, #tpu.memory_space<vmem>>, vector<16xf32>,
    tpu.vector_store %arg10[%swap3A_125, %swap3A_126], %get3A_124 {strides = array<i32>} : memref<128x64xf32, #tpu.memory_space<vmem>>, vector<16xf32>,
    %scan3A_128 = arith.constant 0 : i32
    %scan3A_129 = arith.constant 1 : i32
    %add3A_130 = arith.constant 256 : i32
    %add3A_131 = arith.addi %mul3A_2, %add3A_130 : i32
    %dma_start3A_132 = arith.constant 0 : i32
    %dma_start3A_133 = tpu.memref_slice %arg3[%add3A_131, %dma_start3A_132] : memref<16384x64xf32, #tpu.memory_space<hbm>> -> memref<128x64xf32, #tpu.memory_space<hbm>>
    %dma_start3A_134 = arith.constant 0 : i32
    %dma_start3A_135 = tpu.memref_slice %arg3[%add3A_131, %dma_start3A_134] : memref<16384x64xf32, #tpu.memory_space<hbm>> -> memref<128x64xf32, #tpu.memory_space<hbm>>
    tpu.enqueue_dma source(%arg10 : memref<128x64xf32, #tpu.memory_space<vmem>>) target(%dma_start3A_135 : memref<128x64xf32, #tpu.memory_space<hbm>>) target_semaphore(%arg18 : memref<!tpu.dma_semaphore, #tpu.memory_space<semaphore_mem>>)
    %dma_wait3A_136 = arith.constant 0 : i32
    %dma_wait3A_137 = tpu.memref_slice %arg2[%add3A_21, %dma_wait3A_136] : memref<16384x128xf32, #tpu.memory_space<hbm>> -> memref<128x128xf32, #tpu.memory_space<hbm>>
    %dma_wait3A_138 = arith.constant 0 : i32
    %dma_wait3A_139 = tpu.memref_slice %arg2[%add3A_21, %dma_wait3A_138] : memref<16384x128xf32, #tpu.memory_space<hbm>> -> memref<128x128xf32, #tpu.memory_space<hbm>>
    tpu.wait_dma2 semaphore(%arg15 : memref<!tpu.dma_semaphore, #tpu.memory_space<semaphore_mem>>) src(%dma_wait3A_139 : memref<128x128xf32, #tpu.memory_space<hbm>>) dst(%arg7 : memref<128x128xf32, #tpu.memory_space<vmem>>)
    %scan3A_140 = arith.constant 0 : i32
    %scan3A_141 = arith.constant 0 : i32
    %get3A_142 = arith.index_cast %scan3A_141 : i32 to index
    %get3A_143 = arith.constant 0 : index
    %get3A_144 = tpu.vector_load %arg7[%get3A_142, %get3A_143] {strides = array<i32>} : memref<128x128xf32, #tpu.memory_space<vmem>>, vector<16xf32>,
    %swap3A_145 = arith.index_cast %scan3A_141 : i32 to index
    %swap3A_146 = arith.constant 0 : index
    %swap3A_147 = tpu.vector_load %arg11[%swap3A_145, %swap3A_146] {strides = array<i32>} : memref<128x64xf32, #tpu.memory_space<vmem>>, vector<16xf32>,
    tpu.vector_store %arg11[%swap3A_145, %swap3A_146], %get3A_144 {strides = array<i32>} : memref<128x64xf32, #tpu.memory_space<vmem>>, vector<16xf32>,
    %get3A_148 = arith.index_cast %scan3A_141 : i32 to index
    %get3A_149 = arith.constant 16 : index
    %get3A_150 = tpu.vector_load %arg7[%get3A_148, %get3A_149] {strides = array<i32>} : memref<128x128xf32, #tpu.memory_space<vmem>>, vector<16xf32>,
    %swap3A_151 = arith.index_cast %scan3A_141 : i32 to index
    %swap3A_152 = arith.constant 16 : index
    %swap3A_153 = tpu.vector_load %arg11[%swap3A_151, %swap3A_152] {strides = array<i32>} : memref<128x64xf32, #tpu.memory_space<vmem>>, vector<16xf32>,
    tpu.vector_store %arg11[%swap3A_151, %swap3A_152], %get3A_150 {strides = array<i32>} : memref<128x64xf32, #tpu.memory_space<vmem>>, vector<16xf32>,
    %get3A_154 = arith.index_cast %scan3A_141 : i32 to index
    %get3A_155 = arith.constant 32 : index
    %get3A_156 = tpu.vector_load %arg7[%get3A_154, %get3A_155] {strides = array<i32>} : memref<128x128xf32, #tpu.memory_space<vmem>>, vector<16xf32>,
    %swap3A_157 = arith.index_cast %scan3A_141 : i32 to index
    %swap3A_158 = arith.constant 32 : index
    %swap3A_159 = tpu.vector_load %arg11[%swap3A_157, %swap3A_158] {strides = array<i32>} : memref<128x64xf32, #tpu.memory_space<vmem>>, vector<16xf32>,
    tpu.vector_store %arg11[%swap3A_157, %swap3A_158], %get3A_156 {strides = array<i32>} : memref<128x64xf32, #tpu.memory_space<vmem>>, vector<16xf32>,
    %get3A_160 = arith.index_cast %scan3A_141 : i32 to index
    %get3A_161 = arith.constant 48 : index
    %get3A_162 = tpu.vector_load %arg7[%get3A_160, %get3A_161] {strides = array<i32>} : memref<128x128xf32, #tpu.memory_space<vmem>>, vector<16xf32>,
    %swap3A_163 = arith.index_cast %scan3A_141 : i32 to index
    %swap3A_164 = arith.constant 48 : index
    %swap3A_165 = tpu.vector_load %arg11[%swap3A_163, %swap3A_164] {strides = array<i32>} : memref<128x64xf32, #tpu.memory_space<vmem>>, vector<16xf32>,
    tpu.vector_store %arg11[%swap3A_163, %swap3A_164], %get3A_162 {strides = array<i32>} : memref<128x64xf32, #tpu.memory_space<vmem>>, vector<16xf32>,
    %scan3A_166 = arith.constant 0 : i32
    %scan3A_167 = arith.constant 1 : i32
    %add3A_168 = arith.constant 384 : i32
    %add3A_169 = arith.addi %mul3A_2, %add3A_168 : i32
    %dma_start3A_170 = arith.constant 0 : i32
    %dma_start3A_171 = tpu.memref_slice %arg3[%add3A_169, %dma_start3A_170] : memref<16384x64xf32, #tpu.memory_space<hbm>> -> memref<128x64xf32, #tpu.memory_space<hbm>>
    %dma_start3A_172 = arith.constant 0 : i32
    %dma_start3A_173 = tpu.memref_slice %arg3[%add3A_169, %dma_start3A_172] : memref<16384x64xf32, #tpu.memory_space<hbm>> -> memref<128x64xf32, #tpu.memory_space<hbm>>
    tpu.enqueue_dma source(%arg11 : memref<128x64xf32, #tpu.memory_space<vmem>>) target(%dma_start3A_173 : memref<128x64xf32, #tpu.memory_space<hbm>>) target_semaphore(%arg19 : memref<!tpu.dma_semaphore, #tpu.memory_space<semaphore_mem>>)
    %dma_wait3A_174 = arith.constant 0 : i32
    %dma_wait3A_175 = tpu.memref_slice %arg3[%add3A_55, %dma_wait3A_174] : memref<16384x64xf32, #tpu.memory_space<hbm>> -> memref<128x64xf32, #tpu.memory_space<hbm>>
    %dma_wait3A_176 = arith.constant 0 : i32
    %dma_wait3A_177 = tpu.memref_slice %arg3[%add3A_55, %dma_wait3A_176] : memref<16384x64xf32, #tpu.memory_space<hbm>> -> memref<128x64xf32, #tpu.memory_space<hbm>>
    tpu.wait_dma2 semaphore(%arg16 : memref<!tpu.dma_semaphore, #tpu.memory_space<semaphore_mem>>) src(%arg8 : memref<128x64xf32, #tpu.memory_space<vmem>>) dst(%dma_wait3A_177 : memref<128x64xf32, #tpu.memory_space<hbm>>)
    %dma_wait3A_178 = arith.constant 0 : i32
    %dma_wait3A_179 = tpu.memref_slice %arg3[%add3A_93, %dma_wait3A_178] : memref<16384x64xf32, #tpu.memory_space<hbm>> -> memref<128x64xf32, #tpu.memory_space<hbm>>
    %dma_wait3A_180 = arith.constant 0 : i32
    %dma_wait3A_181 = tpu.memref_slice %arg3[%add3A_93, %dma_wait3A_180] : memref<16384x64xf32, #tpu.memory_space<hbm>> -> memref<128x64xf32, #tpu.memory_space<hbm>>
    tpu.wait_dma2 semaphore(%arg17 : memref<!tpu.dma_semaphore, #tpu.memory_space<semaphore_mem>>) src(%arg9 : memref<128x64xf32, #tpu.memory_space<vmem>>) dst(%dma_wait3A_181 : memref<128x64xf32, #tpu.memory_space<hbm>>)
    %dma_wait3A_182 = arith.constant 0 : i32
    %dma_wait3A_183 = tpu.memref_slice %arg3[%add3A_131, %dma_wait3A_182] : memref<16384x64xf32, #tpu.memory_space<hbm>> -> memref<128x64xf32, #tpu.memory_space<hbm>>
    %dma_wait3A_184 = arith.constant 0 : i32
    %dma_wait3A_185 = tpu.memref_slice %arg3[%add3A_131, %dma_wait3A_184] : memref<16384x64xf32, #tpu.memory_space<hbm>> -> memref<128x64xf32, #tpu.memory_space<hbm>>
    tpu.wait_dma2 semaphore(%arg18 : memref<!tpu.dma_semaphore, #tpu.memory_space<semaphore_mem>>) src(%arg10 : memref<128x64xf32, #tpu.memory_space<vmem>>) dst(%dma_wait3A_185 : memref<128x64xf32, #tpu.memory_space<hbm>>)
    %dma_wait3A_186 = arith.constant 0 : i32
    %dma_wait3A_187 = tpu.memref_slice %arg3[%add3A_169, %dma_wait3A_186] : memref<16384x64xf32, #tpu.memory_space<hbm>> -> memref<128x64xf32, #tpu.memory_space<hbm>>
    %dma_wait3A_188 = arith.constant 0 : i32
    %dma_wait3A_189 = tpu.memref_slice %arg3[%add3A_169, %dma_wait3A_188] : memref<16384x64xf32, #tpu.memory_space<hbm>> -> memref<128x64xf32, #tpu.memory_space<hbm>>
    tpu.wait_dma2 semaphore(%arg19 : memref<!tpu.dma_semaphore, #tpu.memory_space<semaphore_mem>>) src(%arg11 : memref<128x64xf32, #tpu.memory_space<vmem>>) dst(%dma_wait3A_189 : memref<128x64xf32, #tpu.memory_space<hbm>>)
    return
  }
}

</mosaic_0001>

<sc_bundles>
// kernel: kernel.3.cloned.1.call-start
scs
__scs_entry_jumppad:
0x0: {  	(pc) =	sbr.rel $0x88, $3  }
0x1: {  	(tag) =	ssettag $0x0;
	lr =	simm.s32 $0x1  }
0x2: {  	[smem:$0x3FA0] =	sst lr;
	_ =	strace $0xD0000000  }
0x3: {  	_ = 	snop  }
0x4: {  	_ = 	snop  }
0x5: {  	_ = 	snop  }
0x6: {  	_ = 	snop  }
0x7: {  	_ = 	snop  }
__scs_overlays_trampoline_lowered:
0x8: {  	[smem:$0x3FAF] =	sst s0  }
0x9: {  	[smem:$0x3FB0] =	sst s1  }
0xa: {  	[smem:$0x3FB1] =	sst s2  }
0xb: {  	[smem:$0x3FB2] =	sst s3  }
0xc: {  	[smem:$0x3FB3] =	sst s4  }
0xd: {  	[smem:$0x3FB4] =	sst s5  }
0xe: {  	[smem:$0x3FB5] =	sst s6  }
0xf: {  	[smem:$0x3FB6] =	sst s7  }
0x10: {  	[smem:$0x3FB7] =	sst s8  }
0x11: {  	[smem:$0x3FB8] =	sst s9;
	s0 =	simm.s32 @!p0 $0x0  }
0x12: {  	s1 =	sld [smem:$0x3F9E];
	s0 =	simm.s32 @p0 $0x1  }
0x13: {  	[smem:$0x3FB9] =	sst s0;
	s0 =	simm.s32 @!p1 $0x0  }
0x14: {  	s2 =	sld [smem:$0x3F9D];
	s0 =	simm.s32 @p1 $0x1  }
0x15: {  	[smem:$0x3FBA] =	sst s0;
	s0 =	simm.s32 @!p2 $0x0  }
0x16: {  	s3 =	sld [smem:$0x3FDB];
	s0 =	simm.s32 @p2 $0x1  }
0x17: {  	s4 =	simm.s32 $0x1BF5;
	[smem:$0x3FBC] =	sst s0  }
0x18: {  	s0 =	sld [smem:$0x3F9F];
	_ =	swait.ge [sflag:s4], $0x0  }
0x19: {  	s7 =	sld [smem:$0x3FA0]  }
0x1a: {  	s8 =	sadd.s32 $0xFFFFE003, lr  }
0x1b: {  	s9 =	sadd.s32 $0xFFFFFEF7, lr;
	s5 =	simm.s32 $0xFFFFFFFF;
	p2 =	slt.u32 s8, $0xFFFFF086  }
0x1c: {  	p1 =	slt.u32 s9, $0xF7A;
	s5 =	simm.s32 @!p2 $0x0  }
0x1d: {  	s5 =	simm.s32 @p1 $0x1;
	p0 =	seq.s32 s7, s2  }
0x1e: {  	s7 =	smul.u32 @!p0 $0xF7A, s2;
	p2 =	seq.s32 @!p0 s5, $0x0  }
0x1f: {  	s9 =	smul.u32 $0xF7A, s1;
	s8 =	simm.s32 @!p0 $0x1BF5;
	p2 =	por !p2, p0  }
0x20: {  	[sflag:s8] =	ssyncset.s32 @!p0 $0xFFFFF086;
	s6 =	sadd.s32 @!p0 s3, s7;
	s7 =	simm.s32 @!p0 $0x108  }
0x21: {  	s3 =	sadd.s32 s3, s9;
	s6 =	sadd.s32 @!p0 $0x88, s6;
	s7 =	simm.s32 @p2 $0x1082  }
0x22: {  	[simem:s7], [sflag:s8] =	dma.local @!p0 [hbm:s6], $0xF7A  }
0x23: {  	s9 =	sor.u32 $0xD0000000, s2;
	s6 =	simm.s32 $0x108;
	_ =	swait.ge @!p0 [sflag:s8], $0x0  }
0x24: {  	s3 =	sadd.s32 $0x88, s3;
	s6 =	simm.s32 @!p1 $0x1082;
	[sflag:s4] =	ssyncset.s32 $0xFFFFF086  }
0x25: {  	[simem:s6], [sflag:s4] =	dma.local [hbm:s3], $0xF7A  }
0x26: {  	[smem:$0x3FA0] =	sst s1;
	(tag) =	ssettag s2;
	_ =	strace s9  }
0x27: {  	s1 =	sld [smem:$0x3FB0]  }
0x28: {  	s2 =	sld [smem:$0x3FB1]  }
0x29: {  	s4 =	sld [smem:$0x3FB3]  }
0x2a: {  	p0 =	seq.s32 s5, $0x0;
	s5 =	sld [smem:$0x3FB4]  }
0x2b: {  	s6 =	sld [smem:$0x3FB5]  }
0x2c: {  	s7 =	sld [smem:$0x3FB6]  }
0x2d: {  	s3 =	simm.s32 $0x108;
	s8 =	sld [smem:$0x3FB7]  }
0x2e: {  	s3 =	simm.s32 @!p0 $0x1082;
	s9 =	sld [smem:$0x3FB8]  }
0x2f: {  	lr =	sadd.s32 s0, s3;
	s0 =	sld [smem:$0x3FAF]  }
0x30: {  	s3 =	sld [smem:$0x3FB2]  }
0x31: {  	[smem:$0x3FBB] =	sst s10  }
0x32: {  	s10 =	sld [smem:$0x3FB9];
	_ =	sdelay $0x3  }
0x33: {  	p0 =	seq.s32 s10, $0x1;
	s10 =	sld [smem:$0x3FBB];
	_ =	sdelay $0x3  }
0x34: {  	[smem:$0x3FBB] =	sst s10  }
0x35: {  	s10 =	sld [smem:$0x3FBA];
	_ =	sdelay $0x3  }
0x36: {  	p1 =	seq.s32 s10, $0x1;
	s10 =	sld [smem:$0x3FBB];
	_ =	sdelay $0x3  }
0x37: {  	[smem:$0x3FBB] =	sst s10  }
0x38: {  	s10 =	sld [smem:$0x3FBC]  }
0x39: {  	_ = 	snop;
	(pc) =	sbr.ind lr, $3  }
0x3a: {  	_ = 	snop  }
0x3b: {  	_ = 	snop  }
0x3c: {  	p2 =	seq.s32 s10, $0x1;
	s10 =	sld [smem:$0x3FBB]  }
0x3d: {  	_ =	shalt  }
0x3e: {  	_ =	shalt  }
0x3f: {  	_ =	shalt  }
0x40: {  	_ =	shalt  }
0x41: {  	_ =	shalt  }
0x42: {  	_ =	shalt  }
0x43: {  	_ =	shalt  }
0x44: {  	_ =	shalt  }
0x45: {  	_ =	shalt  }
0x46: {  	_ =	shalt  }
0x47: {  	_ =	shalt  }
0x48: {  	_ =	shalt  }
0x49: {  	_ =	shalt  }
0x4a: {  	_ =	shalt  }
0x4b: {  	_ =	shalt  }
0x4c: {  	_ =	shalt  }
0x4d: {  	_ =	shalt  }
0x4e: {  	_ =	shalt  }
0x4f: {  	_ =	shalt  }
0x50: {  	_ =	shalt  }
0x51: {  	_ =	shalt  }
0x52: {  	_ =	shalt  }
0x53: {  	_ =	shalt  }
0x54: {  	_ =	shalt  }
0x55: {  	_ =	shalt  }
0x56: {  	_ =	shalt  }
0x57: {  	_ =	shalt  }
0x58: {  	_ =	shalt  }
0x59: {  	_ =	shalt  }
0x5a: {  	_ =	shalt  }
0x5b: {  	_ =	shalt  }
0x5c: {  	_ =	shalt  }
0x5d: {  	_ =	shalt  }
0x5e: {  	_ =	shalt  }
0x5f: {  	_ =	shalt  }
0x60: {  	_ =	shalt  }
0x61: {  	_ =	shalt  }
0x62: {  	_ =	shalt  }
0x63: {  	_ =	shalt  }
0x64: {  	_ =	shalt  }
0x65: {  	_ =	shalt  }
0x66: {  	_ =	shalt  }
0x67: {  	_ =	shalt  }
0x68: {  	_ =	shalt  }
0x69: {  	_ =	shalt  }
0x6a: {  	_ =	shalt  }
0x6b: {  	_ =	shalt  }
0x6c: {  	_ =	shalt  }
0x6d: {  	_ =	shalt  }
0x6e: {  	_ =	shalt  }
0x6f: {  	_ =	shalt  }
0x70: {  	_ =	shalt  }
0x71: {  	_ =	shalt  }
0x72: {  	_ =	shalt  }
0x73: {  	_ =	shalt  }
0x74: {  	_ =	shalt  }
0x75: {  	_ =	shalt  }
0x76: {  	_ =	shalt  }
0x77: {  	_ =	shalt  }
0x78: {  	_ =	shalt  }
0x79: {  	_ =	shalt  }
0x7a: {  	_ =	shalt  }
0x7b: {  	_ =	shalt  }
0x7c: {  	_ =	shalt  }
0x7d: {  	_ =	shalt  }
0x7e: {  	_ =	shalt  }
0x7f: {  	_ =	shalt  }
0x80: {  	_ =	shalt  }
0x81: {  	_ =	shalt  }
0x82: {  	_ =	shalt  }
0x83: {  	_ =	shalt  }
0x84: {  	_ =	shalt  }
0x85: {  	_ =	shalt  }
0x86: {  	_ =	shalt  }
0x87: {  	_ =	shalt  }
.Lfunc_end0:
.L_simem_size_0:
called_computation_lowered:
.L_overlay_start_0:
0x88: {  	s2 =	sld [smem:$0x3FD9]  }
0x89: {  	s3 =	sld [smem:$0x3FFE];
	_ =	sdelay $0x1  }
0x8a: {  	s1 =	srdreg.scid  }
0x8b: {  	s0 =	sand.u32 $0x1, s1  }
0x8c: {  	s17 =	sshll.u32 s0, $0xA;
	s2 =	sadd.s32 s3, s2  }
0x8d: {  	s2 =	sadd.s32 s2, s17  }
0x8e: {  	[smem:$0x3FC7] =	sst s2  }
0x8f: {  	_ = 	snop  }
0x90: {  	s2 =	sld [smem:$0x3FC9];
	(tm) =	ssettm $0x1  }
0x91: {  	s18 =	sld [smem:$0x3FFB];
	_ =	sdelay $0x3  }
0x92: {  	_ =	strace s18  }
0x93: {  	s3 =	sld [smem:$0x3FFC];
	_ =	sdelay $0x3  }
0x94: {  	_ =	strace s3  }
0x95: {  	s3 =	sld [smem:$0x3FFD];
	_ =	sdelay $0x3  }
0x96: {  	_ =	strace s3  }
0x97: {  	_ =	strace $0x8FFFFFFF  }
0x98: {  	s19 =	sld [smem:$0x3FDB];
	_ =	sdelay $0x1  }
0x99: {  	s4 =	simm.s32 $_scs_section_size  }
0x9a: {  	s5 =	simm.s32 $_size__tile_overlayer_lowered;
	s6 =	simm.s32 $_tile_overlayer_lowered  }
0x9b: {  	s22 =	simm.s32 $0x1BFF;
	s21 =	sshll.u32 s6, $0x1;
	s3 =	sadd.s32 s4, s19  }
0x9c: {  	s7 =	simm.s32 $0x0;
	s20 =	sshll.u32 s5, $0x1;
	s5 =	sadd.s32 s21, s3  }
0x9d: {  	[timem:s7], [sflag:s22] =	dma.local [hbm:s5], s20  }
0x9e: {  	_ =	swait.ge [sflag:s22], s20  }
0x9f: {  	s4 =	ssub.s32 $0x0, s20;
	[sflag:s22] =	ssyncset.done $0x0  }
0xa0: {  	[sflag:s22] =	ssyncadd.s32 s4;
	_ =	sdelay $0x1  }
0xa1: {  	s23 =	simm.s32 $0x1B8B  }
0xa2: {  	_ =	swait.ge [sflag:s23], $0x1  }
0xa3: {  	[sflag:s23] =	ssyncset.done $0x0  }
0xa4: {  	s25 =	simm.s32 $0x1B8E;
	s24 =	sld [smem:$0x3FFE];
	[sflag:s23] =	ssyncadd.s32 $0xFFFFFFFF  }
0xa5: {  	s26 =	simm.s32 $execute0_lowered;
	[smem:$0x3FD2] =	sst s25  }
0xa6: {  	s5 =	sshll.u32 s26, $0x1;
	_ =	strace $0x80000046;
	[dreg:$0x1] =	wrdreg $0xFFFFFFFF  }
0xa7: {  	s28 =	simm.s32 $_size_execute0_lowered;
	s3 =	sadd.s32 s3, s5;
	[dreg:$0x0] =	wrdreg $0x0  }
0xa8: {  	s5 =	sshll.u32 s28, $0x1;
	[dreg:$0x2] =	wrdreg s3  }
0xa9: {  	[dreg:$0x3] =	wrdreg s5  }
0xaa: {  	[dreg:$0x4] =	wrdreg $0xC0  }
0xab: {  	_ =	task [dreg:s7], $0x5FFFF  }
0xac: {  	[dreg:$0x1] =	wrdreg $0xFFFFFFFF  }
0xad: {  	[dreg:$0x0] =	wrdreg $0x60  }
0xae: {  	[dreg:$0x2] =	wrdreg s2  }
0xaf: {  	[dreg:$0x3] =	wrdreg s24  }
0xb0: {  	[dreg:$0x4] =	wrdreg $0x9  }
0xb1: {  	_ =	task.clear_ibuf [dreg:s7], $0x5FFFF;
	_ =	strace $0x90000046  }
0xb2: {  	s29 =	simm.s32 $0x9;
	_ =	strace $0x80000048  }
0xb3: {  	_ =	swait.ge [sflag:s29], $0x1  }
0xb4: {  	[sflag:s29] =	ssyncadd.s32 $0xFFFFFFFF  }
0xb5: {  	_ =	strace $0x90000048  }
0xb6: {  	_ =	sfence  }
0xb7: {  	s30 =	sld [smem:$0x0];
	_ =	sdelay $0x2  }
0xb8: {  	s31 =	sshll.u32 s1, $0xD;
	s1 =	sshrl.u32 s1, $0x2  }
0xb9: {  	s3 =	sand.u32 $0x4000, s31;
	s1 =	sadd.s32 s1, s30  }
0xba: {  	s0 =	sor.u32 s3, s0;
	s1 =	sshll.u32 s1, $0x11  }
0xbb: {  	s0 =	sor.u32 s1, s0  }
0xbc: {  	s0 =	sadd.s32 $0x8F2B, s0  }
0xbd: {  	[sflag:s0] =	ssyncadd.remote.s32 $0x1  }
0xbe: {  	_ =	sfence.sel $0xFFFF  }
0xbf: {  	[dreg:$0x0] =	wrdreg $0xFFFFFFFF;
	(pc) =	sbr.abs _section_cstart, $3  }
0xc0: {  	[dreg:$0x1] =	wrdreg $0xFFFFFFFF  }
0xc1: {  	_ =	task.clear_ibuf [dreg:s7], $0x2FFFF;
	_ =	strace $0x9FFFFFFF  }
0xc2: {  	(tm) =	ssettm $0x7FFFFFFF  }
0xc3: {  	_ =	shalt  }
tec
execute0_lowered:
.L_overlay_start_1:
0x0: {  	(tag) =	ssettag $0x1  }
0x1: {  	s8 =	rddreg [dreg:$0x0]  }
0x2: {  	s11 =	rddreg [dreg:$0x1];
	s2 =	srdreg.scid  }
0x3: {  	s0 =	rddreg [dreg:$0x2];
	s1 =	stileid.u32;
	s20 =	sand.u32 $0x1, s2  }
0x4: {  	s2 =	simm.s32 $0x0;
	s3 =	sshll.u32 s1, $0xE;
	s4 =	sshll.u32 s20, $0xD  }
0x5: {  	[smem:$0x7FF] =	sst s2;
	s12 =	sor.u32 s4, s3  }
0x6: {  	_ =	strace $0x80000047;
	s3 =	sadd.s32 s8, s12;
	s14 =	sor.u32 $0x800, s12  }
0x7: {  	[tilespmem:s2], [sflag:$0x1] =	stream.linear.gather [hbm4b:s3+s2], $0x4000, $0x38;
	v63 =	vld [tilespmem:$0x0]  }
0x8: {  	s5 =	simm.s32 $0x4000;
	s17 =	sor.u32 $0x1000, s12;
	s4 =	sadd.s32 s8, s14  }
0x9: {  	[tilespmem:s5], [sflag:$0x2] =	stream.linear.gather [hbm4b:s4+s2], $0x4000, $0x38;
	v63 =	vld [tilespmem:$0x0]  }
0xa: {  	s7 =	simm.s32 $0x8000;
	s21 =	sor.u32 $0x1800, s12;
	s6 =	sadd.s32 s8, s17  }
0xb: {  	[tilespmem:s7], [sflag:$0x3] =	stream.linear.gather [hbm4b:s6+s2], $0x4000, $0x38;
	v63 =	vld [tilespmem:$0x0]  }
0xc: {  	s9 =	simm.s32 $0xC000;
	s10 =	simm.s32 $0x1;
	s8 =	sadd.s32 s8, s21  }
0xd: {  	[tilespmem:s9], [sflag:$0x4] =	stream.linear.gather [hbm4b:s8+s2], $0x4000, $0x38;
	v63 =	vld [tilespmem:$0x0]  }
0xe: {  	_ =	swait.ge [sflag:s10], $0x4000  }
0xf: {  	[sflag:s10] =	ssyncset.done $0x0  }
0x10: {  	[sflag:s10] =	ssyncadd.s32 $0xFFFFC000  }
0x11: {  	v0 =	vld [tilespmem:$0x30]  }
0x12: {  	v1 =	vld [tilespmem:$0x0]  }
0x13: {  	v2 =	vld [tilespmem:$0x20]  }
0x14: {  	v3 =	vld [tilespmem:$0x10];
	_ =	sdelay $0x1  }
0x15: {  	[tilespmem:$0x10030] =	vst v0  }
0x16: {  	[tilespmem:$0x10000] =	vst v1  }
0x17: {  	s22 =	sadd.s32 $0x400, s11;
	[tilespmem:$0x10020] =	vst v2  }
0x18: {  	s13 =	simm.s32 $0x2;
	s11 =	sadd.s32 s22, s12;
	s12 =	simm.s32 $0x10000;
	[tilespmem:$0x10010] =	vst v3  }
0x19: {  	[hbm4b:s11+s2] =	stream.linear.scatter [tilespmem:s12], [sflag:$0x5], $0x4000, $0x38;
	v63 =	vld [tilespmem:$0x0]  }
0x1a: {  	_ =	swait.ge [sflag:s13], $0x4000  }
0x1b: {  	[sflag:s13] =	ssyncset.done $0x0  }
0x1c: {  	[sflag:s13] =	ssyncadd.s32 $0xFFFFC000  }
0x1d: {  	v51 =	vld [tilespmem:$0x4020]  }
0x1e: {  	v52 =	vld [tilespmem:$0x4000]  }
0x1f: {  	v53 =	vld [tilespmem:$0x4030]  }
0x20: {  	v54 =	vld [tilespmem:$0x4010];
	_ =	sdelay $0x1  }
0x21: {  	[tilespmem:$0x14020] =	vst v51  }
0x22: {  	[tilespmem:$0x14000] =	vst v52  }
0x23: {  	[tilespmem:$0x14030] =	vst v53  }
0x24: {  	s15 =	simm.s32 $0x14000;
	s16 =	simm.s32 $0x3;
	s14 =	sadd.s32 s22, s14;
	[tilespmem:$0x14010] =	vst v54  }
0x25: {  	[hbm4b:s14+s2] =	stream.linear.scatter [tilespmem:s15], [sflag:$0x6], $0x4000, $0x38;
	v63 =	vld [tilespmem:$0x0]  }
0x26: {  	_ =	swait.ge [sflag:s16], $0x4000  }
0x27: {  	[sflag:s16] =	ssyncset.done $0x0  }
0x28: {  	[sflag:s16] =	ssyncadd.s32 $0xFFFFC000  }
0x29: {  	v55 =	vld [tilespmem:$0x8020]  }
0x2a: {  	v56 =	vld [tilespmem:$0x8000]  }
0x2b: {  	v57 =	vld [tilespmem:$0x8010]  }
0x2c: {  	v58 =	vld [tilespmem:$0x8030];
	_ =	sdelay $0x1  }
0x2d: {  	[tilespmem:$0x18020] =	vst v55  }
0x2e: {  	[tilespmem:$0x18000] =	vst v56  }
0x2f: {  	[tilespmem:$0x18010] =	vst v57  }
0x30: {  	s18 =	simm.s32 $0x18000;
	s19 =	simm.s32 $0x4;
	s17 =	sadd.s32 s22, s17;
	[tilespmem:$0x18030] =	vst v58  }
0x31: {  	[hbm4b:s17+s2] =	stream.linear.scatter [tilespmem:s18], [sflag:$0x7], $0x4000, $0x38;
	v63 =	vld [tilespmem:$0x0]  }
0x32: {  	_ =	swait.ge [sflag:s19], $0x4000  }
0x33: {  	[sflag:s19] =	ssyncset.done $0x0  }
0x34: {  	s20 =	ssub.s32 $0x2, s20;
	[sflag:s19] =	ssyncadd.s32 $0xFFFFC000  }
0x35: {  	s23 =	sshrl.u32 s20, $0x1;
	v59 =	vld [tilespmem:$0xC000]  }
0x36: {  	s20 =	ssub.s32 s20, s23;
	v60 =	vld [tilespmem:$0xC030]  }
0x37: {  	s31 =	smax.u32 s20, $0x1;
	v61 =	vld [tilespmem:$0xC010]  }
0x38: {  	p0 =	sne.s32 s31, $0x1;
	v62 =	vld [tilespmem:$0xC020]  }
.Ltmp0:
0x39: {  	_ = 	snop;
	(pc) =	sbr.rel @!p0 .LBB2_2-.Ltmp0, $4  }
0x3a: {  	[tilespmem:$0x1C000] =	vst v59  }
0x3b: {  	s25 =	simm.s32 $0x1C000;
	[tilespmem:$0x1C030] =	vst v60  }
0x3c: {  	s24 =	simm.s32 $0x5;
	s23 =	sadd.s32 s22, s21;
	s20 =	simm.s32 $0x6;
	[tilespmem:$0x1C010] =	vst v61  }
0x3d: {  	s21 =	simm.s32 $0x7;
	s22 =	simm.s32 $0x8;
	s26 =	sadd.s32 $0xFFFFFFFF, s31;
	[tilespmem:$0x1C020] =	vst v62  }
.LBB2_1:
0x3e: {  	[hbm4b:s23+s2] =	stream.linear.scatter [tilespmem:s25], [sflag:$0x8], $0x4000, $0x38;
	v63 =	vld [tilespmem:$0x0]  }
0x3f: {  	p0 =	sne.s32 s26, $0x1;
	s26 =	sadd.s32 $0xFFFFFFFF, s26;
	_ =	swait.ge [sflag:s24], $0x4000  }
0x40: {  	[sflag:s24] =	ssyncset.done $0x0  }
0x41: {  	[sflag:s24] =	ssyncadd.s32 $0xFFFFC000  }
0x42: {  	_ =	swait.ge [sflag:s20], $0x4000  }
0x43: {  	[sflag:s20] =	ssyncset.done $0x0  }
0x44: {  	[sflag:s20] =	ssyncadd.s32 $0xFFFFC000  }
0x45: {  	_ =	swait.ge [sflag:s21], $0x4000  }
0x46: {  	[sflag:s21] =	ssyncset.done $0x0  }
0x47: {  	[sflag:s21] =	ssyncadd.s32 $0xFFFFC000  }
0x48: {  	_ =	swait.ge [sflag:s22], $0x4000  }
0x49: {  	[sflag:s22] =	ssyncset.done $0x0  }
0x4a: {  	[sflag:s22] =	ssyncadd.s32 $0xFFFFC000  }
0x4b: {  	[tilespmem:s2], [sflag:$0x1] =	stream.linear.gather [hbm4b:s3+s2], $0x4000, $0x38;
	v63 =	vld [tilespmem:$0x0]  }
0x4c: {  	_ = 	snop  }
0x4d: {  	[tilespmem:s5], [sflag:$0x2] =	stream.linear.gather [hbm4b:s4+s2], $0x4000, $0x38;
	v63 =	vld [tilespmem:$0x0]  }
0x4e: {  	_ = 	snop  }
0x4f: {  	[tilespmem:s7], [sflag:$0x3] =	stream.linear.gather [hbm4b:s6+s2], $0x4000, $0x38;
	v63 =	vld [tilespmem:$0x0]  }
0x50: {  	_ = 	snop  }
0x51: {  	[tilespmem:s9], [sflag:$0x4] =	stream.linear.gather [hbm4b:s8+s2], $0x4000, $0x38;
	v63 =	vld [tilespmem:$0x0]  }
0x52: {  	_ =	swait.ge [sflag:s10], $0x4000  }
0x53: {  	[sflag:s10] =	ssyncset.done $0x0  }
0x54: {  	[sflag:s10] =	ssyncadd.s32 $0xFFFFC000  }
0x55: {  	v0 =	vld [tilespmem:$0x30]  }
0x56: {  	v1 =	vld [tilespmem:$0x0]  }
0x57: {  	v2 =	vld [tilespmem:$0x20]  }
0x58: {  	v3 =	vld [tilespmem:$0x10];
	_ =	sdelay $0x1  }
0x59: {  	[tilespmem:$0x10030] =	vst v0  }
0x5a: {  	[tilespmem:$0x10000] =	vst v1  }
0x5b: {  	[tilespmem:$0x10020] =	vst v2  }
0x5c: {  	[tilespmem:$0x10010] =	vst v3  }
0x5d: {  	[hbm4b:s11+s2] =	stream.linear.scatter [tilespmem:s12], [sflag:$0x5], $0x4000, $0x38;
	v63 =	vld [tilespmem:$0x0]  }
0x5e: {  	_ =	swait.ge [sflag:s13], $0x4000  }
0x5f: {  	[sflag:s13] =	ssyncset.done $0x0  }
0x60: {  	[sflag:s13] =	ssyncadd.s32 $0xFFFFC000  }
0x61: {  	v0 =	vld [tilespmem:$0x4020]  }
0x62: {  	v1 =	vld [tilespmem:$0x4000]  }
0x63: {  	v2 =	vld [tilespmem:$0x4030]  }
0x64: {  	v3 =	vld [tilespmem:$0x4010];
	_ =	sdelay $0x1  }
0x65: {  	[tilespmem:$0x14020] =	vst v0  }
0x66: {  	[tilespmem:$0x14000] =	vst v1  }
0x67: {  	[tilespmem:$0x14030] =	vst v2  }
0x68: {  	[tilespmem:$0x14010] =	vst v3  }
0x69: {  	[hbm4b:s14+s2] =	stream.linear.scatter [tilespmem:s15], [sflag:$0x6], $0x4000, $0x38;
	v63 =	vld [tilespmem:$0x0]  }
0x6a: {  	_ =	swait.ge [sflag:s16], $0x4000  }
0x6b: {  	[sflag:s16] =	ssyncset.done $0x0  }
0x6c: {  	[sflag:s16] =	ssyncadd.s32 $0xFFFFC000  }
0x6d: {  	v0 =	vld [tilespmem:$0x8020]  }
0x6e: {  	v1 =	vld [tilespmem:$0x8000]  }
0x6f: {  	v2 =	vld [tilespmem:$0x8010]  }
0x70: {  	v3 =	vld [tilespmem:$0x8030];
	_ =	sdelay $0x1  }
0x71: {  	[tilespmem:$0x18020] =	vst v0  }
0x72: {  	[tilespmem:$0x18000] =	vst v1  }
0x73: {  	[tilespmem:$0x18010] =	vst v2  }
0x74: {  	[tilespmem:$0x18030] =	vst v3  }
0x75: {  	[hbm4b:s17+s2] =	stream.linear.scatter [tilespmem:s18], [sflag:$0x7], $0x4000, $0x38;
	v63 =	vld [tilespmem:$0x0]  }
0x76: {  	_ =	swait.ge [sflag:s19], $0x4000  }
0x77: {  	[sflag:s19] =	ssyncset.done $0x0  }
0x78: {  	[sflag:s19] =	ssyncadd.s32 $0xFFFFC000  }
0x79: {  	v0 =	vld [tilespmem:$0xC000]  }
0x7a: {  	v1 =	vld [tilespmem:$0xC030]  }
0x7b: {  	v2 =	vld [tilespmem:$0xC010]  }
0x7c: {  	v3 =	vld [tilespmem:$0xC020]  }
.Ltmp1:
0x7d: {  	(pc) =	sbr.rel @p0 .LBB2_1-.Ltmp1, $4  }
0x7e: {  	[tilespmem:$0x1C000] =	vst v0  }
0x7f: {  	[tilespmem:$0x1C030] =	vst v1  }
0x80: {  	[tilespmem:$0x1C010] =	vst v2  }
0x81: {  	[tilespmem:$0x1C020] =	vst v3  }
.LBB2_2:
0x82: {  	[hbm4b:s23+s2] =	stream.linear.scatter [tilespmem:s25], [sflag:$0x8], $0x4000, $0x38;
	v63 =	vld [tilespmem:$0x0]  }
0x83: {  	_ =	swait.ge [sflag:s24], $0x4000  }
0x84: {  	[sflag:s24] =	ssyncset.done $0x0  }
0x85: {  	[sflag:s24] =	ssyncadd.s32 $0xFFFFC000  }
0x86: {  	_ =	swait.ge [sflag:s20], $0x4000  }
0x87: {  	[sflag:s20] =	ssyncset.done $0x0  }
0x88: {  	[sflag:s20] =	ssyncadd.s32 $0xFFFFC000  }
0x89: {  	_ =	swait.ge [sflag:s21], $0x4000  }
0x8a: {  	[sflag:s21] =	ssyncset.done $0x0  }
0x8b: {  	[sflag:s21] =	ssyncadd.s32 $0xFFFFC000  }
0x8c: {  	_ =	swait.ge [sflag:s22], $0x4000  }
0x8d: {  	[sflag:s22] =	ssyncset.done $0x0  }
0x8e: {  	[sflag:s22] =	ssyncadd.s32 $0xFFFFC000  }
0x8f: {  	_ =	sfence.sel $0x180000  }
0x90: {  	[bflag:$0x0] =	sbarrier.arrive $0xFFFF  }
0x91: {  	p0 =	sne.s32 s1, $0x0;
	_ =	strace $0x90000047  }
0x92: {  	s0 =	sadd.s32 @!p0 $0x100000, s0;
	[bflag:$0x2] =	sbarrier.arrive $0xFFFF  }
0x93: {  	[sflag:s0] =	ssyncadd.tile.s32 @!p0 $0x1;
	_ =	shalt  }
.Lfunc_end2:
_tile_overlayer_lowered:
.L_overlay_start_2:
0x94: {  	(tag) =	ssettag $0x2  }
0x95: {  	s0 =	rddreg [dreg:$0x0];
	s2 =	stileid.u32  }
0x96: {  	s1 =	rddreg [dreg:$0x1];
	p0 =	sne.s32 s2, $0x0  }
0x97: {  	s3 =	rddreg [dreg:$0x2];
	[bflag:$0x3] =	sbarrier.arrive $0xFFFF;
	s2 =	simm.s32 @!p0 $0x1C09  }
0x98: {  	[timem:s3], [sflag:s2] =	dma.local @!p0 [hbm:s0], s1  }
0x99: {  	s0 =	simm.s32 @!p0 $0x9  }
0x9a: {  	_ =	swait.ge @!p0 [sflag:s0], s1  }
0x9b: {  	s1 =	ssub.s32 @!p0 $0x0, s1;
	[sflag:s0] =	ssyncset.done @!p0 $0x0  }
0x9c: {  	[sflag:s0] =	ssyncadd.s32 @!p0 s1  }
0x9d: {  	[bflag:$0x3] =	sbarrier.arrive $0xFFFF  }
0x9e: {  	_ =	shalt  }

</sc_bundles>
